<compile_context>
chip_gen: v7x
topology: tpu7x:2x2x1
jax: 0.10.2.dev20260603
libtpu: 0.0.44.dev20260713+nightly
codegen_flags: <defaults>
</compile_context>

<pallas_src>
import functools

import jax
import jax.numpy as jnp
from jax import lax
from jax.experimental import pallas as pl
from jax.experimental.pallas import tpu as pltpu
from jax.experimental.pallas import tpu_sc as plsc

_BLOCK = 2048
_SPLIT = 2


def _enc_chain(xb, We1, be1, We2, be2, We3, be3, cb):
    z1 = jnp.maximum(jnp.dot(xb, We1) + be1[None, :], 0.0)
    z2 = jnp.maximum(jnp.dot(z1, We2) + be2[None, :], 0.0)
    z = jnp.dot(z2, We3) + be3[None, :]
    d = (jnp.sum(z * z, axis=1, keepdims=True)
         + jnp.sum(cb * cb, axis=1)[None, :]
         - 2.0 * jnp.dot(z, cb.T))
    k = d.shape[1]
    iota = jax.lax.broadcasted_iota(jnp.int32, d.shape, 1)
    dmin = jnp.min(d, axis=1, keepdims=True)
    idx = jnp.min(jnp.where(d == dmin, iota, k), axis=1)
    return z, idx


def _enc_body(x_ref, We1_ref, be1_ref, We2_ref, be2_ref, We3_ref, be3_ref,
              cb_ref, z_ref, idx_ref):
    ws = (We1_ref[...], be1_ref[...], We2_ref[...], be2_ref[...],
          We3_ref[...], be3_ref[...], cb_ref[...])
    half = _BLOCK // _SPLIT
    for s in range(_SPLIT):
        rows = pl.ds(s * half, half)
        z, idx = _enc_chain(x_ref[rows, :], *ws)
        z_ref[rows, :] = z
        idx_ref[rows, :] = idx[:, None]


def _dec_chain(xb, z, zq, Wd1, bd1, Wd2, bd2, Wd3, bd3):
    zq_st = z + (zq - z)
    h = jnp.maximum(jnp.dot(zq_st, Wd1) + bd1[None, :], 0.0)
    h = jnp.maximum(jnp.dot(h, Wd2) + bd2[None, :], 0.0)
    xr = jnp.dot(h, Wd3) + bd3[None, :]
    sq = jnp.sum((zq - z) ** 2)
    rq = jnp.sum((xr - xb) ** 2)
    return xr, zq_st, sq, rq


def _dec_body(x_ref, z_ref, zqg_ref, Wd1_ref, bd1_ref, Wd2_ref, bd2_ref,
              Wd3_ref, bd3_ref, xr_ref, zq_ref, sq_ref, rq_ref):
    ws = (Wd1_ref[...], bd1_ref[...], Wd2_ref[...], bd2_ref[...],
          Wd3_ref[...], bd3_ref[...])
    half = _BLOCK // _SPLIT
    sq_tot = 0.0
    rq_tot = 0.0
    for s in range(_SPLIT):
        rows = pl.ds(s * half, half)
        xr, zq_st, sq, rq = _dec_chain(x_ref[rows, :], z_ref[rows, :],
                                       zqg_ref[rows, :z_ref.shape[1]], *ws)
        xr_ref[rows, :] = xr
        zq_ref[rows, :] = zq_st
        sq_tot = sq_tot + sq
        rq_tot = rq_tot + rq
    first = pl.program_id(0) == 0
    sq_ref[...] = jnp.where(first, 0.0, sq_ref[...]) + sq_tot
    rq_ref[...] = jnp.where(first, 0.0, rq_ref[...]) + rq_tot


def _sc_gather(codebook, idx):
    n = idx.shape[0]
    d_dim = codebook.shape[1]
    info = plsc.get_sparse_core_info()
    nw = info.num_cores * info.num_subcores
    b_per_w = n // nw
    chunk = 128
    mesh = plsc.VectorSubcoreMesh(core_axis_name="c", subcore_axis_name="s")

    @functools.partial(
        pl.kernel, mesh=mesh,
        out_type=jax.ShapeDtypeStruct((n, d_dim), jnp.float32),
        scratch_types=[
            pltpu.VMEM((chunk,), jnp.int32),
            pltpu.VMEM((chunk, d_dim), jnp.float32),
            pltpu.SemaphoreType.DMA,
        ],
    )
    def k(table_hbm, idx_hbm, out_hbm, idx_v, rows_v, sem):
        wid = lax.axis_index("s") * info.num_cores + lax.axis_index("c")
        base = wid * b_per_w

        def body(i, _):
            off = base + i * chunk
            pltpu.sync_copy(idx_hbm.at[pl.ds(off, chunk)], idx_v)
            pltpu.async_copy(table_hbm.at[idx_v], rows_v, sem).wait()
            pltpu.sync_copy(rows_v, out_hbm.at[pl.ds(off, chunk)])
            return ()

        lax.fori_loop(0, b_per_w // chunk, body, ())

    return k(codebook, idx)


def kernel(x, We1, be1, We2, be2, We3, be3, codebook,
           Wd1, bd1, Wd2, bd2, Wd3, bd3):
    n, d_in = x.shape
    l_dim = We3.shape[1]
    blk = _BLOCK
    grid = n // blk
    full = lambda a: pl.BlockSpec(a.shape, lambda i: (0,) * a.ndim)

    z, idx = pl.pallas_call(
        _enc_body,
        grid=(grid,),
        in_specs=[
            pl.BlockSpec((blk, d_in), lambda i: (i, 0)),
            full(We1), full(be1), full(We2), full(be2), full(We3), full(be3),
            full(codebook),
        ],
        out_specs=(
            pl.BlockSpec((blk, l_dim), lambda i: (i, 0)),
            pl.BlockSpec((blk, 1), lambda i: (i, 0)),
        ),
        out_shape=(
            jax.ShapeDtypeStruct((n, l_dim), jnp.float32),
            jax.ShapeDtypeStruct((n, 1), jnp.int32),
        ),
    )(x, We1, be1, We2, be2, We3, be3, codebook)

    cb_pad = jnp.pad(codebook, ((0, 0), (0, 128 - l_dim)))
    zq_raw = _sc_gather(cb_pad, idx.reshape(n))

    xr, zq, sqs, rqs = pl.pallas_call(
        _dec_body,
        grid=(grid,),
        in_specs=[
            pl.BlockSpec((blk, d_in), lambda i: (i, 0)),
            pl.BlockSpec((blk, l_dim), lambda i: (i, 0)),
            pl.BlockSpec((blk, 128), lambda i: (i, 0)),
            full(Wd1), full(bd1), full(Wd2), full(bd2), full(Wd3), full(bd3),
        ],
        out_specs=(
            pl.BlockSpec((blk, d_in), lambda i: (i, 0)),
            pl.BlockSpec((blk, l_dim), lambda i: (i, 0)),
            pl.BlockSpec((1, 1), lambda i: (0, 0)),
            pl.BlockSpec((1, 1), lambda i: (0, 0)),
        ),
        out_shape=(
            jax.ShapeDtypeStruct((n, d_in), jnp.float32),
            jax.ShapeDtypeStruct((n, l_dim), jnp.float32),
            jax.ShapeDtypeStruct((1, 1), jnp.float32),
            jax.ShapeDtypeStruct((1, 1), jnp.float32),
        ),
    )(x, z, zq_raw, Wd1, bd1, Wd2, bd2, Wd3, bd3)

    vq_loss = 1.25 * sqs[0, 0] / (n * l_dim)
    recon_loss = rqs[0, 0] / (n * d_in)
    total_loss = recon_loss + vq_loss
    return (xr, total_loss, vq_loss, zq)

# --- scband reference (transcript-rebuilt; emitter-appended) ---
"""Pipeline reference for scband-vqvae-10050223473100 (READ-ONLY COPY).

The authoritative reference and input builder live on the scoring server;
editing this copy changes nothing except your own understanding.
"""

import jax, jax.numpy as jnp
import numpy as np

N, D, H, L, K = 16384, 512, 1024, 64, 1024
COMMIT = 0.25

def _linear_params(key, fan_in, fan_out):
    kw, kb = jax.random.split(key)
    bound = 1.0 / np.sqrt(fan_in)
    W = jax.random.uniform(kw, (fan_in, fan_out), minval=-bound, maxval=bound, dtype=jnp.float32)
    b = jax.random.uniform(kb, (fan_out,), minval=-bound, maxval=bound, dtype=jnp.float32)
    return W, b

def setup_inputs(seed: int = 0):
    key = jax.random.key(seed)
    ks = jax.random.split(key, 8)
    x = jax.random.normal(ks[0], (N, D), dtype=jnp.float32)
    We1, be1 = _linear_params(ks[1], D, H)
    We2, be2 = _linear_params(ks[2], H, H)
    We3, be3 = _linear_params(ks[3], H, L)
    codebook = jax.random.uniform(ks[4], (K, L), minval=-1.0 / K, maxval=1.0 / K, dtype=jnp.float32)
    Wd1, bd1 = _linear_params(ks[5], L, H)
    Wd2, bd2 = _linear_params(ks[6], H, H)
    Wd3, bd3 = _linear_params(ks[7], H, D)
    return {"x": x, "We1": We1, "be1": be1, "We2": We2, "be2": be2, "We3": We3, "be3": be3,
            "codebook": codebook, "Wd1": Wd1, "bd1": bd1, "Wd2": Wd2, "bd2": bd2, "Wd3": Wd3, "bd3": bd3}

def reference(x, We1, be1, We2, be2, We3, be3, codebook, Wd1, bd1, Wd2, bd2, Wd3, bd3):
    # Encoder
    z = jax.nn.relu(x @ We1 + be1)
    z = jax.nn.relu(z @ We2 + be2)
    z = z @ We3 + be3
    # Vector quantizer
    z_flat = z.reshape(-1, codebook.shape[1])
    distances = (jnp.sum(z_flat ** 2, axis=1, keepdims=True)
                 + jnp.sum(codebook ** 2, axis=1)
                 - 2.0 * (z_flat @ codebook.T))
    encoding_indices = jnp.argmin(distances, axis=1)
    z_q = jnp.take(codebook, encoding_indices, axis=0).reshape(z.shape)
    vq_loss = jnp.mean((jax.lax.stop_gradient(z_q) - z) ** 2) + COMMIT * jnp.mean((z_q - jax.lax.stop_gradient(z)) ** 2)
    z_q = z + jax.lax.stop_gradient(z_q - z)
    # Decoder
    h = jax.nn.relu(z_q @ Wd1 + bd1)
    h = jax.nn.relu(h @ Wd2 + bd2)
    x_recon = h @ Wd3 + bd3
    recon_loss = jnp.mean((x_recon - x) ** 2)
    total_loss = recon_loss + vq_loss
    return (x_recon, total_loss, vq_loss, z_q)

if __name__ == "__main__":
    import jax
    _d = setup_inputs()
    print(jax.jit(kernel)(*tuple(_d.values())))

</pallas_src>

<mosaic_0001>
#map = affine_map<(d0, d1) -> (0, 0)>
#map1 = affine_map<(d0, d1) -> (0)>
module attributes {stable_mosaic.version = 14 : i64} {
  func.func @k(%arg0: i32, %arg1: i32, %arg2: memref<1024x128xf32, #tpu.memory_space<hbm>>, %arg3: memref<16384xi32, #tpu.memory_space<hbm>>, %arg4: memref<16384x128xf32, #tpu.memory_space<hbm>>, %arg5: memref<128xi32, #tpu.memory_space<vmem>>, %arg6: memref<128x128xf32, #tpu.memory_space<vmem>>, %arg7: memref<!tpu.dma_semaphore, #tpu.memory_space<semaphore_mem>>) attributes {dimension_semantics = [#tpu.dimension_semantics<core_parallel>, #tpu.dimension_semantics<subcore_parallel>], iteration_bounds = array<i64: 2, 16>, scalar_prefetch = 0 : i64, scratch_operands = 3 : i64, tpu.core_type = #tpu.core_type<sc_vector_subcore>, window_params = [{transform_indices = #map}, {transform_indices = #map1}, {transform_indices = #map}]} {
    %mul3A = arith.constant 2 : i32
    %mul3A_0 = arith.muli %arg1, %mul3A : i32
    %add3A = arith.addi %mul3A_0, %arg0 : i32
    %mul3A_1 = arith.constant 512 : i32
    %mul3A_2 = arith.muli %add3A, %mul3A_1 : i32
    %scan3A = arith.constant 0 : i32
    %scan3A_3 = arith.constant 4 : i32
    %scan3A_4 = arith.addi %scan3A, %scan3A_3 : i32
    %scan3A_5 = arith.constant 1 : i32
    scf.for %scan3A_7 = %scan3A to %scan3A_4 step %scan3A_5  : i32 {
      %mul3A_8 = arith.constant 128 : i32
      %mul3A_9 = arith.muli %scan3A_7, %mul3A_8 : i32
      %add3A_10 = arith.addi %mul3A_2, %mul3A_9 : i32
      "tpu.region"() ({
        %run_scoped3A = tpu.sem_alloc : memref<!tpu.dma_semaphore, #tpu.memory_space<semaphore_mem>>
        %dma_start3A_15 = tpu.memref_slice %arg3[%add3A_10] : memref<16384xi32, #tpu.memory_space<hbm>> -> memref<128xi32, #tpu.memory_space<hbm>>
        %dma_start3A_16 = tpu.memref_slice %arg3[%add3A_10] : memref<16384xi32, #tpu.memory_space<hbm>> -> memref<128xi32, #tpu.memory_space<hbm>>
        tpu.enqueue_dma source(%dma_start3A_16 : memref<128xi32, #tpu.memory_space<hbm>>) target(%arg5 : memref<128xi32, #tpu.memory_space<vmem>>) target_semaphore(%run_scoped3A : memref<!tpu.dma_semaphore, #tpu.memory_space<semaphore_mem>>)
        %dma_wait3A_17 = tpu.memref_slice %arg3[%add3A_10] : memref<16384xi32, #tpu.memory_space<hbm>> -> memref<128xi32, #tpu.memory_space<hbm>>
        %dma_wait3A_18 = tpu.memref_slice %arg3[%add3A_10] : memref<16384xi32, #tpu.memory_space<hbm>> -> memref<128xi32, #tpu.memory_space<hbm>>
        tpu.wait_dma2 semaphore(%run_scoped3A : memref<!tpu.dma_semaphore, #tpu.memory_space<semaphore_mem>>) src(%dma_wait3A_18 : memref<128xi32, #tpu.memory_space<hbm>>) dst(%arg5 : memref<128xi32, #tpu.memory_space<vmem>>)
        tpu.yield
      }) : () -> ()
      %dma_start3A = arith.constant 0 : i32
      %dma_start3A_11 = arith.constant 0 : i32
      %dma_start3A_12 = tpu.memref_slice %arg2[%dma_start3A, %dma_start3A_11] : memref<1024x128xf32, #tpu.memory_space<hbm>> -> memref<1024x128xf32, #tpu.memory_space<hbm>>
      tpu.enqueue_indirect_dma source(%dma_start3A_12 : memref<1024x128xf32, #tpu.memory_space<hbm>>) target(%arg6 : memref<128x128xf32, #tpu.memory_space<vmem>>) offsets(%arg5 : memref<128xi32, #tpu.memory_space<vmem>>) semaphore(%arg7 : memref<!tpu.dma_semaphore, #tpu.memory_space<semaphore_mem>>)
      %dma_wait3A = arith.constant 0 : i32
      %dma_wait3A_13 = arith.constant 0 : i32
      %dma_wait3A_14 = tpu.memref_slice %arg2[%dma_wait3A, %dma_wait3A_13] : memref<1024x128xf32, #tpu.memory_space<hbm>> -> memref<1024x128xf32, #tpu.memory_space<hbm>>
      tpu.wait_indirect_dma semaphore(%arg7 : memref<!tpu.dma_semaphore, #tpu.memory_space<semaphore_mem>>) src(%dma_wait3A_14 : memref<1024x128xf32, #tpu.memory_space<hbm>>) dst(%arg6 : memref<128x128xf32, #tpu.memory_space<vmem>>)
      "tpu.region"() ({
        %run_scoped3A = tpu.sem_alloc : memref<!tpu.dma_semaphore, #tpu.memory_space<semaphore_mem>>
        %dma_start3A_15 = arith.constant 0 : i32
        %dma_start3A_16 = tpu.memref_slice %arg4[%add3A_10, %dma_start3A_15] : memref<16384x128xf32, #tpu.memory_space<hbm>> -> memref<128x128xf32, #tpu.memory_space<hbm>>
        %dma_start3A_17 = arith.constant 0 : i32
        %dma_start3A_18 = tpu.memref_slice %arg4[%add3A_10, %dma_start3A_17] : memref<16384x128xf32, #tpu.memory_space<hbm>> -> memref<128x128xf32, #tpu.memory_space<hbm>>
        tpu.enqueue_dma source(%arg6 : memref<128x128xf32, #tpu.memory_space<vmem>>) target(%dma_start3A_18 : memref<128x128xf32, #tpu.memory_space<hbm>>) target_semaphore(%run_scoped3A : memref<!tpu.dma_semaphore, #tpu.memory_space<semaphore_mem>>)
        %dma_wait3A_19 = arith.constant 0 : i32
        %dma_wait3A_20 = tpu.memref_slice %arg4[%add3A_10, %dma_wait3A_19] : memref<16384x128xf32, #tpu.memory_space<hbm>> -> memref<128x128xf32, #tpu.memory_space<hbm>>
        %dma_wait3A_21 = arith.constant 0 : i32
        %dma_wait3A_22 = tpu.memref_slice %arg4[%add3A_10, %dma_wait3A_21] : memref<16384x128xf32, #tpu.memory_space<hbm>> -> memref<128x128xf32, #tpu.memory_space<hbm>>
        tpu.wait_dma2 semaphore(%run_scoped3A : memref<!tpu.dma_semaphore, #tpu.memory_space<semaphore_mem>>) src(%arg6 : memref<128x128xf32, #tpu.memory_space<vmem>>) dst(%dma_wait3A_22 : memref<128x128xf32, #tpu.memory_space<hbm>>)
        tpu.yield
      }) : () -> ()
    }
    %scan3A_6 = arith.constant 4 : i32
    return
  }
}

module attributes {stable_mosaic.version = 14 : i64} {
  func.func @_enc_body(%arg0: i32, %arg1: memref<2048x512xf32, #tpu.memory_space<vmem>>, %arg2: memref<512x1024xf32, #tpu.memory_space<vmem>>, %arg3: memref<1024xf32, #tpu.memory_space<vmem>>, %arg4: memref<1024x1024xf32, #tpu.memory_space<vmem>>, %arg5: memref<1024xf32, #tpu.memory_space<vmem>>, %arg6: memref<1024x64xf32, #tpu.memory_space<vmem>>, %arg7: memref<64xf32, #tpu.memory_space<vmem>>, %arg8: memref<1024x64xf32, #tpu.memory_space<vmem>>, %arg9: memref<2048x64xf32, #tpu.memory_space<vmem>>, %arg10: memref<2048x1xi32, #tpu.memory_space<vmem>>) attributes {dimension_semantics = [#tpu.dimension_semantics<arbitrary>], iteration_bounds = array<i64: 8>, scalar_prefetch = 0 : i64, scratch_operands = 0 : i64, tpu.core_type = #tpu.core_type<tc>, window_params = [{transform_indices = @transform_0, window_bounds = array<i64: 2048, 512>}, {pipeline_mode = #tpu.pipeline_mode<synchronous>, transform_indices = @transform_1, window_bounds = array<i64: 512, 1024>}, {pipeline_mode = #tpu.pipeline_mode<synchronous>, transform_indices = @transform_2, window_bounds = array<i64: 1024>}, {pipeline_mode = #tpu.pipeline_mode<synchronous>, transform_indices = @transform_3, window_bounds = array<i64: 1024, 1024>}, {pipeline_mode = #tpu.pipeline_mode<synchronous>, transform_indices = @transform_4, window_bounds = array<i64: 1024>}, {pipeline_mode = #tpu.pipeline_mode<synchronous>, transform_indices = @transform_5, window_bounds = array<i64: 1024, 64>}, {pipeline_mode = #tpu.pipeline_mode<synchronous>, transform_indices = @transform_6, window_bounds = array<i64: 64>}, {pipeline_mode = #tpu.pipeline_mode<synchronous>, transform_indices = @transform_7, window_bounds = array<i64: 1024, 64>}, {transform_indices = @transform_8, window_bounds = array<i64: 2048, 64>}, {transform_indices = @transform_9, window_bounds = array<i64: 2048, 1>}]} {
    %get3A = arith.constant 0 : index
    %get3A_0 = arith.constant 0 : index
    %get3A_1 = vector.load %arg2[%get3A, %get3A_0] : memref<512x1024xf32, #tpu.memory_space<vmem>>, vector<512x1024xf32>
    %get3A_2 = arith.constant 0 : index
    %get3A_3 = vector.load %arg3[%get3A_2] : memref<1024xf32, #tpu.memory_space<vmem>>, vector<1024xf32>
    %get3A_4 = arith.constant 0 : index
    %get3A_5 = arith.constant 0 : index
    %get3A_6 = vector.load %arg4[%get3A_4, %get3A_5] : memref<1024x1024xf32, #tpu.memory_space<vmem>>, vector<1024x1024xf32>
    %get3A_7 = arith.constant 0 : index
    %get3A_8 = vector.load %arg5[%get3A_7] : memref<1024xf32, #tpu.memory_space<vmem>>, vector<1024xf32>
    %get3A_9 = arith.constant 0 : index
    %get3A_10 = arith.constant 0 : index
    %get3A_11 = vector.load %arg6[%get3A_9, %get3A_10] : memref<1024x64xf32, #tpu.memory_space<vmem>>, vector<1024x64xf32>
    %get3A_12 = arith.constant 0 : index
    %get3A_13 = vector.load %arg7[%get3A_12] : memref<64xf32, #tpu.memory_space<vmem>>, vector<64xf32>
    %get3A_14 = arith.constant 0 : index
    %get3A_15 = arith.constant 0 : index
    %get3A_16 = vector.load %arg8[%get3A_14, %get3A_15] : memref<1024x64xf32, #tpu.memory_space<vmem>>, vector<1024x64xf32>
    %get3A_17 = arith.constant 0 : index
    %get3A_18 = arith.constant 0 : index
    %get3A_19 = vector.load %arg1[%get3A_17, %get3A_18] : memref<2048x512xf32, #tpu.memory_space<vmem>>, vector<1024x512xf32>
    %dot_general3A = arith.constant dense<0.000000e+00> : vector<1024x1024xf32>
    %dot_general3A_20 = tpu.matmul %get3A_19, %get3A_1, %dot_general3A {dimension_numbers = #tpu.dot_dimension_numbers<[1], [0], [0], [1], [0, 0, 1, 1], [], []>, transpose_lhs_hint = false} : vector<1024x512xf32>, vector<512x1024xf32>, vector<1024x1024xf32> -> vector<1024x1024xf32>
    %broadcast_in_dim3A = vector.shape_cast %get3A_3 : vector<1024xf32> to vector<1x1024xf32>
    %add3A = vector.broadcast %broadcast_in_dim3A : vector<1x1024xf32> to vector<1024x1024xf32>
    %add3A_21 = arith.addf %dot_general3A_20, %add3A : vector<1024x1024xf32>
    %max3A = arith.constant 0.000000e+00 : f32
    %max3A_22 = vector.broadcast %max3A : f32 to vector<1024x1024xf32>
    %max3A_23 = arith.maximumf %add3A_21, %max3A_22 : vector<1024x1024xf32>
    %dot_general3A_24 = arith.constant dense<0.000000e+00> : vector<1024x1024xf32>
    %dot_general3A_25 = tpu.matmul %max3A_23, %get3A_6, %dot_general3A_24 {dimension_numbers = #tpu.dot_dimension_numbers<[1], [0], [0], [1], [0, 0, 1, 1], [], []>, transpose_lhs_hint = false} : vector<1024x1024xf32>, vector<1024x1024xf32>, vector<1024x1024xf32> -> vector<1024x1024xf32>
    %broadcast_in_dim3A_26 = vector.shape_cast %get3A_8 : vector<1024xf32> to vector<1x1024xf32>
    %add3A_27 = vector.broadcast %broadcast_in_dim3A_26 : vector<1x1024xf32> to vector<1024x1024xf32>
    %add3A_28 = arith.addf %dot_general3A_25, %add3A_27 : vector<1024x1024xf32>
    %max3A_29 = arith.constant 0.000000e+00 : f32
    %max3A_30 = vector.broadcast %max3A_29 : f32 to vector<1024x1024xf32>
    %max3A_31 = arith.maximumf %add3A_28, %max3A_30 : vector<1024x1024xf32>
    %dot_general3A_32 = arith.constant dense<0.000000e+00> : vector<1024x64xf32>
    %dot_general3A_33 = tpu.matmul %max3A_31, %get3A_11, %dot_general3A_32 {dimension_numbers = #tpu.dot_dimension_numbers<[1], [0], [0], [1], [0, 0, 1, 1], [], []>, transpose_lhs_hint = false} : vector<1024x1024xf32>, vector<1024x64xf32>, vector<1024x64xf32> -> vector<1024x64xf32>
    %broadcast_in_dim3A_34 = vector.shape_cast %get3A_13 : vector<64xf32> to vector<1x64xf32>
    %add3A_35 = vector.broadcast %broadcast_in_dim3A_34 : vector<1x64xf32> to vector<1024x64xf32>
    %add3A_36 = arith.addf %dot_general3A_33, %add3A_35 : vector<1024x64xf32>
    %mul3A = arith.mulf %add3A_36, %add3A_36 : vector<1024x64xf32>
    %reduce_sum3A = arith.constant dense<0.000000e+00> : vector<1024xf32>
    %reduce_sum3A_37 = vector.multi_reduction <add>, %mul3A, %reduce_sum3A [1] : vector<1024x64xf32> to vector<1024xf32>
    %broadcast_in_dim3A_38 = vector.shape_cast %reduce_sum3A_37 : vector<1024xf32> to vector<1024x1xf32>
    %mul3A_39 = arith.mulf %get3A_16, %get3A_16 : vector<1024x64xf32>
    %reduce_sum3A_40 = arith.constant dense<0.000000e+00> : vector<1024xf32>
    %reduce_sum3A_41 = vector.multi_reduction <add>, %mul3A_39, %reduce_sum3A_40 [1] : vector<1024x64xf32> to vector<1024xf32>
    %broadcast_in_dim3A_42 = vector.shape_cast %reduce_sum3A_41 : vector<1024xf32> to vector<1x1024xf32>
    %add3A_43 = vector.broadcast %broadcast_in_dim3A_38 : vector<1024x1xf32> to vector<1024x1024xf32>
    %add3A_44 = vector.broadcast %broadcast_in_dim3A_42 : vector<1x1024xf32> to vector<1024x1024xf32>
    %add3A_45 = arith.addf %add3A_43, %add3A_44 : vector<1024x1024xf32>
    %transpose3A = tpu.transpose %get3A_16, [1, 0] : vector<1024x64xf32> -> vector<64x1024xf32>
    %dot_general3A_46 = arith.constant dense<0.000000e+00> : vector<1024x1024xf32>
    %dot_general3A_47 = tpu.matmul %add3A_36, %transpose3A, %dot_general3A_46 {dimension_numbers = #tpu.dot_dimension_numbers<[1], [0], [0], [1], [0, 0, 1, 1], [], []>, transpose_lhs_hint = false} : vector<1024x64xf32>, vector<64x1024xf32>, vector<1024x1024xf32> -> vector<1024x1024xf32>
    %mul3A_48 = arith.constant 2.000000e+00 : f32
    %mul3A_49 = vector.broadcast %mul3A_48 : f32 to vector<1024x1024xf32>
    %mul3A_50 = arith.mulf %mul3A_49, %dot_general3A_47 : vector<1024x1024xf32>
    %sub3A = arith.subf %add3A_45, %mul3A_50 : vector<1024x1024xf32>
    %iota3A = tpu.iota {dimensions = array<i32: 1>} : vector<1024x1024xi32>
    %reduce_min3A = arith.constant dense<0x7F800000> : vector<1024xf32>
    %reduce_min3A_51 = vector.multi_reduction <minimumf>, %sub3A, %reduce_min3A [1] : vector<1024x1024xf32> to vector<1024xf32>
    %broadcast_in_dim3A_52 = vector.shape_cast %reduce_min3A_51 : vector<1024xf32> to vector<1024x1xf32>
    %eq3A = vector.broadcast %broadcast_in_dim3A_52 : vector<1024x1xf32> to vector<1024x1024xf32>
    %eq3A_53 = arith.cmpf oeq, %sub3A, %eq3A : vector<1024x1024xf32>
    %jit3A = arith.constant 1024 : i32
    %broadcast_in_dim3A_54 = vector.broadcast %jit3A : i32 to vector<1024x1024xi32>
    %select_n3A = arith.select %eq3A_53, %iota3A, %broadcast_in_dim3A_54 : vector<1024x1024xi1>, vector<1024x1024xi32>
    %reduce_min3A_55 = arith.constant dense<2147483647> : vector<1024xi32>
    %reduce_min3A_56 = vector.multi_reduction <minsi>, %select_n3A, %reduce_min3A_55 [1] : vector<1024x1024xi32> to vector<1024xi32>
    %swap3A = arith.constant 0 : index
    %swap3A_57 = arith.constant 0 : index
    %swap3A_58 = vector.load %arg9[%swap3A, %swap3A_57] : memref<2048x64xf32, #tpu.memory_space<vmem>>, vector<1024x64xf32>
    tpu.vector_store %arg9[%swap3A, %swap3A_57], %add3A_36 {strides = array<i32>} : memref<2048x64xf32, #tpu.memory_space<vmem>>, vector<1024x64xf32>,
    %broadcast_in_dim3A_59 = vector.shape_cast %reduce_min3A_56 : vector<1024xi32> to vector<1024x1xi32>
    %swap3A_60 = arith.constant 0 : index
    %swap3A_61 = arith.constant 0 : index
    %swap3A_62 = vector.load %arg10[%swap3A_60, %swap3A_61] : memref<2048x1xi32, #tpu.memory_space<vmem>>, vector<1024x1xi32>
    tpu.vector_store %arg10[%swap3A_60, %swap3A_61], %broadcast_in_dim3A_59 {strides = array<i32>} : memref<2048x1xi32, #tpu.memory_space<vmem>>, vector<1024x1xi32>,
    %get3A_63 = arith.constant 1024 : index
    %get3A_64 = arith.constant 0 : index
    %get3A_65 = vector.load %arg1[%get3A_63, %get3A_64] : memref<2048x512xf32, #tpu.memory_space<vmem>>, vector<1024x512xf32>
    %dot_general3A_66 = arith.constant dense<0.000000e+00> : vector<1024x1024xf32>
    %dot_general3A_67 = tpu.matmul %get3A_65, %get3A_1, %dot_general3A_66 {dimension_numbers = #tpu.dot_dimension_numbers<[1], [0], [0], [1], [0, 0, 1, 1], [], []>, transpose_lhs_hint = false} : vector<1024x512xf32>, vector<512x1024xf32>, vector<1024x1024xf32> -> vector<1024x1024xf32>
    %broadcast_in_dim3A_68 = vector.shape_cast %get3A_3 : vector<1024xf32> to vector<1x1024xf32>
    %add3A_69 = vector.broadcast %broadcast_in_dim3A_68 : vector<1x1024xf32> to vector<1024x1024xf32>
    %add3A_70 = arith.addf %dot_general3A_67, %add3A_69 : vector<1024x1024xf32>
    %max3A_71 = arith.constant 0.000000e+00 : f32
    %max3A_72 = vector.broadcast %max3A_71 : f32 to vector<1024x1024xf32>
    %max3A_73 = arith.maximumf %add3A_70, %max3A_72 : vector<1024x1024xf32>
    %dot_general3A_74 = arith.constant dense<0.000000e+00> : vector<1024x1024xf32>
    %dot_general3A_75 = tpu.matmul %max3A_73, %get3A_6, %dot_general3A_74 {dimension_numbers = #tpu.dot_dimension_numbers<[1], [0], [0], [1], [0, 0, 1, 1], [], []>, transpose_lhs_hint = false} : vector<1024x1024xf32>, vector<1024x1024xf32>, vector<1024x1024xf32> -> vector<1024x1024xf32>
    %broadcast_in_dim3A_76 = vector.shape_cast %get3A_8 : vector<1024xf32> to vector<1x1024xf32>
    %add3A_77 = vector.broadcast %broadcast_in_dim3A_76 : vector<1x1024xf32> to vector<1024x1024xf32>
    %add3A_78 = arith.addf %dot_general3A_75, %add3A_77 : vector<1024x1024xf32>
    %max3A_79 = arith.constant 0.000000e+00 : f32
    %max3A_80 = vector.broadcast %max3A_79 : f32 to vector<1024x1024xf32>
    %max3A_81 = arith.maximumf %add3A_78, %max3A_80 : vector<1024x1024xf32>
    %dot_general3A_82 = arith.constant dense<0.000000e+00> : vector<1024x64xf32>
    %dot_general3A_83 = tpu.matmul %max3A_81, %get3A_11, %dot_general3A_82 {dimension_numbers = #tpu.dot_dimension_numbers<[1], [0], [0], [1], [0, 0, 1, 1], [], []>, transpose_lhs_hint = false} : vector<1024x1024xf32>, vector<1024x64xf32>, vector<1024x64xf32> -> vector<1024x64xf32>
    %broadcast_in_dim3A_84 = vector.shape_cast %get3A_13 : vector<64xf32> to vector<1x64xf32>
    %add3A_85 = vector.broadcast %broadcast_in_dim3A_84 : vector<1x64xf32> to vector<1024x64xf32>
    %add3A_86 = arith.addf %dot_general3A_83, %add3A_85 : vector<1024x64xf32>
    %mul3A_87 = arith.mulf %add3A_86, %add3A_86 : vector<1024x64xf32>
    %reduce_sum3A_88 = arith.constant dense<0.000000e+00> : vector<1024xf32>
    %reduce_sum3A_89 = vector.multi_reduction <add>, %mul3A_87, %reduce_sum3A_88 [1] : vector<1024x64xf32> to vector<1024xf32>
    %broadcast_in_dim3A_90 = vector.shape_cast %reduce_sum3A_89 : vector<1024xf32> to vector<1024x1xf32>
    %mul3A_91 = arith.mulf %get3A_16, %get3A_16 : vector<1024x64xf32>
    %reduce_sum3A_92 = arith.constant dense<0.000000e+00> : vector<1024xf32>
    %reduce_sum3A_93 = vector.multi_reduction <add>, %mul3A_91, %reduce_sum3A_92 [1] : vector<1024x64xf32> to vector<1024xf32>
    %broadcast_in_dim3A_94 = vector.shape_cast %reduce_sum3A_93 : vector<1024xf32> to vector<1x1024xf32>
    %add3A_95 = vector.broadcast %broadcast_in_dim3A_90 : vector<1024x1xf32> to vector<1024x1024xf32>
    %add3A_96 = vector.broadcast %broadcast_in_dim3A_94 : vector<1x1024xf32> to vector<1024x1024xf32>
    %add3A_97 = arith.addf %add3A_95, %add3A_96 : vector<1024x1024xf32>
    %transpose3A_98 = tpu.transpose %get3A_16, [1, 0] : vector<1024x64xf32> -> vector<64x1024xf32>
    %dot_general3A_99 = arith.constant dense<0.000000e+00> : vector<1024x1024xf32>
    %dot_general3A_100 = tpu.matmul %add3A_86, %transpose3A_98, %dot_general3A_99 {dimension_numbers = #tpu.dot_dimension_numbers<[1], [0], [0], [1], [0, 0, 1, 1], [], []>, transpose_lhs_hint = false} : vector<1024x64xf32>, vector<64x1024xf32>, vector<1024x1024xf32> -> vector<1024x1024xf32>
    %mul3A_101 = arith.constant 2.000000e+00 : f32
    %mul3A_102 = vector.broadcast %mul3A_101 : f32 to vector<1024x1024xf32>
    %mul3A_103 = arith.mulf %mul3A_102, %dot_general3A_100 : vector<1024x1024xf32>
    %sub3A_104 = arith.subf %add3A_97, %mul3A_103 : vector<1024x1024xf32>
    %iota3A_105 = tpu.iota {dimensions = array<i32: 1>} : vector<1024x1024xi32>
    %reduce_min3A_106 = arith.constant dense<0x7F800000> : vector<1024xf32>
    %reduce_min3A_107 = vector.multi_reduction <minimumf>, %sub3A_104, %reduce_min3A_106 [1] : vector<1024x1024xf32> to vector<1024xf32>
    %broadcast_in_dim3A_108 = vector.shape_cast %reduce_min3A_107 : vector<1024xf32> to vector<1024x1xf32>
    %eq3A_109 = vector.broadcast %broadcast_in_dim3A_108 : vector<1024x1xf32> to vector<1024x1024xf32>
    %eq3A_110 = arith.cmpf oeq, %sub3A_104, %eq3A_109 : vector<1024x1024xf32>
    %jit3A_111 = arith.constant 1024 : i32
    %broadcast_in_dim3A_112 = vector.broadcast %jit3A_111 : i32 to vector<1024x1024xi32>
    %select_n3A_113 = arith.select %eq3A_110, %iota3A_105, %broadcast_in_dim3A_112 : vector<1024x1024xi1>, vector<1024x1024xi32>
    %reduce_min3A_114 = arith.constant dense<2147483647> : vector<1024xi32>
    %reduce_min3A_115 = vector.multi_reduction <minsi>, %select_n3A_113, %reduce_min3A_114 [1] : vector<1024x1024xi32> to vector<1024xi32>
    %swap3A_116 = arith.constant 1024 : index
    %swap3A_117 = arith.constant 0 : index
    %swap3A_118 = vector.load %arg9[%swap3A_116, %swap3A_117] : memref<2048x64xf32, #tpu.memory_space<vmem>>, vector<1024x64xf32>
    tpu.vector_store %arg9[%swap3A_116, %swap3A_117], %add3A_86 {strides = array<i32>} : memref<2048x64xf32, #tpu.memory_space<vmem>>, vector<1024x64xf32>,
    %broadcast_in_dim3A_119 = vector.shape_cast %reduce_min3A_115 : vector<1024xi32> to vector<1024x1xi32>
    %swap3A_120 = arith.constant 1024 : index
    %swap3A_121 = arith.constant 0 : index
    %swap3A_122 = vector.load %arg10[%swap3A_120, %swap3A_121] : memref<2048x1xi32, #tpu.memory_space<vmem>>, vector<1024x1xi32>
    tpu.vector_store %arg10[%swap3A_120, %swap3A_121], %broadcast_in_dim3A_119 {strides = array<i32>} : memref<2048x1xi32, #tpu.memory_space<vmem>>, vector<1024x1xi32>,
    return
  }
  func.func @transform_0(%arg0: i32) -> (i32, i32) {
    %c0_i32 = arith.constant 0 : i32
    %c0_i32_0 = arith.constant 0 : i32
    return %arg0, %c0_i32 : i32, i32
  }
  func.func @transform_1(%arg0: i32) -> (i32, i32) {
    %c0_i32 = arith.constant 0 : i32
    %c0_i32_0 = arith.constant 0 : i32
    %c0_i32_1 = arith.constant 0 : i32
    return %c0_i32, %c0_i32_0 : i32, i32
  }
  func.func @transform_2(%arg0: i32) -> i32 {
    %c0_i32 = arith.constant 0 : i32
    %c0_i32_0 = arith.constant 0 : i32
    return %c0_i32 : i32
  }
  func.func @transform_3(%arg0: i32) -> (i32, i32) {
    %c0_i32 = arith.constant 0 : i32
    %c0_i32_0 = arith.constant 0 : i32
    %c0_i32_1 = arith.constant 0 : i32
    return %c0_i32, %c0_i32_0 : i32, i32
  }
  func.func @transform_4(%arg0: i32) -> i32 {
    %c0_i32 = arith.constant 0 : i32
    %c0_i32_0 = arith.constant 0 : i32
    return %c0_i32 : i32
  }
  func.func @transform_5(%arg0: i32) -> (i32, i32) {
    %c0_i32 = arith.constant 0 : i32
    %c0_i32_0 = arith.constant 0 : i32
    %c0_i32_1 = arith.constant 0 : i32
    return %c0_i32, %c0_i32_0 : i32, i32
  }
  func.func @transform_6(%arg0: i32) -> i32 {
    %c0_i32 = arith.constant 0 : i32
    %c0_i32_0 = arith.constant 0 : i32
    return %c0_i32 : i32
  }
  func.func @transform_7(%arg0: i32) -> (i32, i32) {
    %c0_i32 = arith.constant 0 : i32
    %c0_i32_0 = arith.constant 0 : i32
    %c0_i32_1 = arith.constant 0 : i32
    return %c0_i32, %c0_i32_0 : i32, i32
  }
  func.func @transform_8(%arg0: i32) -> (i32, i32) {
    %c0_i32 = arith.constant 0 : i32
    %c0_i32_0 = arith.constant 0 : i32
    return %arg0, %c0_i32 : i32, i32
  }
  func.func @transform_9(%arg0: i32) -> (i32, i32) {
    %c0_i32 = arith.constant 0 : i32
    %c0_i32_0 = arith.constant 0 : i32
    return %arg0, %c0_i32 : i32, i32
  }
}

module attributes {stable_mosaic.version = 14 : i64} {
  func.func @_dec_body(%arg0: i32, %arg1: memref<2048x512xf32, #tpu.memory_space<vmem>>, %arg2: memref<2048x64xf32, #tpu.memory_space<vmem>>, %arg3: memref<2048x128xf32, #tpu.memory_space<vmem>>, %arg4: memref<64x1024xf32, #tpu.memory_space<vmem>>, %arg5: memref<1024xf32, #tpu.memory_space<vmem>>, %arg6: memref<1024x1024xf32, #tpu.memory_space<vmem>>, %arg7: memref<1024xf32, #tpu.memory_space<vmem>>, %arg8: memref<1024x512xf32, #tpu.memory_space<vmem>>, %arg9: memref<512xf32, #tpu.memory_space<vmem>>, %arg10: memref<2048x512xf32, #tpu.memory_space<vmem>>, %arg11: memref<2048x64xf32, #tpu.memory_space<vmem>>, %arg12: memref<1x1xf32, #tpu.memory_space<vmem>>, %arg13: memref<1x1xf32, #tpu.memory_space<vmem>>) attributes {dimension_semantics = [#tpu.dimension_semantics<arbitrary>], iteration_bounds = array<i64: 8>, scalar_prefetch = 0 : i64, scratch_operands = 0 : i64, tpu.core_type = #tpu.core_type<tc>, window_params = [{transform_indices = @transform_0, window_bounds = array<i64: 2048, 512>}, {transform_indices = @transform_1, window_bounds = array<i64: 2048, 64>}, {transform_indices = @transform_2, window_bounds = array<i64: 2048, 128>}, {pipeline_mode = #tpu.pipeline_mode<synchronous>, transform_indices = @transform_3, window_bounds = array<i64: 64, 1024>}, {pipeline_mode = #tpu.pipeline_mode<synchronous>, transform_indices = @transform_4, window_bounds = array<i64: 1024>}, {pipeline_mode = #tpu.pipeline_mode<synchronous>, transform_indices = @transform_5, window_bounds = array<i64: 1024, 1024>}, {pipeline_mode = #tpu.pipeline_mode<synchronous>, transform_indices = @transform_6, window_bounds = array<i64: 1024>}, {pipeline_mode = #tpu.pipeline_mode<synchronous>, transform_indices = @transform_7, window_bounds = array<i64: 1024, 512>}, {pipeline_mode = #tpu.pipeline_mode<synchronous>, transform_indices = @transform_8, window_bounds = array<i64: 512>}, {transform_indices = @transform_9, window_bounds = array<i64: 2048, 512>}, {transform_indices = @transform_10, window_bounds = array<i64: 2048, 64>}, {pipeline_mode = #tpu.pipeline_mode<synchronous>, transform_indices = @transform_11, window_bounds = array<i64: 1, 1>}, {pipeline_mode = #tpu.pipeline_mode<synchronous>, transform_indices = @transform_12, window_bounds = array<i64: 1, 1>}]} {
    %get3A = arith.constant 0 : index
    %get3A_0 = arith.constant 0 : index
    %get3A_1 = vector.load %arg4[%get3A, %get3A_0] : memref<64x1024xf32, #tpu.memory_space<vmem>>, vector<64x1024xf32>
    %get3A_2 = arith.constant 0 : index
    %get3A_3 = vector.load %arg5[%get3A_2] : memref<1024xf32, #tpu.memory_space<vmem>>, vector<1024xf32>
    %get3A_4 = arith.constant 0 : index
    %get3A_5 = arith.constant 0 : index
    %get3A_6 = vector.load %arg6[%get3A_4, %get3A_5] : memref<1024x1024xf32, #tpu.memory_space<vmem>>, vector<1024x1024xf32>
    %get3A_7 = arith.constant 0 : index
    %get3A_8 = vector.load %arg7[%get3A_7] : memref<1024xf32, #tpu.memory_space<vmem>>, vector<1024xf32>
    %get3A_9 = arith.constant 0 : index
    %get3A_10 = arith.constant 0 : index
    %get3A_11 = vector.load %arg8[%get3A_9, %get3A_10] : memref<1024x512xf32, #tpu.memory_space<vmem>>, vector<1024x512xf32>
    %get3A_12 = arith.constant 0 : index
    %get3A_13 = vector.load %arg9[%get3A_12] : memref<512xf32, #tpu.memory_space<vmem>>, vector<512xf32>
    %get3A_14 = arith.constant 0 : index
    %get3A_15 = arith.constant 0 : index
    %get3A_16 = vector.load %arg1[%get3A_14, %get3A_15] : memref<2048x512xf32, #tpu.memory_space<vmem>>, vector<1024x512xf32>
    %get3A_17 = arith.constant 0 : index
    %get3A_18 = arith.constant 0 : index
    %get3A_19 = vector.load %arg2[%get3A_17, %get3A_18] : memref<2048x64xf32, #tpu.memory_space<vmem>>, vector<1024x64xf32>
    %get3A_20 = arith.constant 0 : index
    %get3A_21 = arith.constant 0 : index
    %get3A_22 = vector.load %arg3[%get3A_20, %get3A_21] : memref<2048x128xf32, #tpu.memory_space<vmem>>, vector<1024x64xf32>
    %sub3A = arith.subf %get3A_22, %get3A_19 : vector<1024x64xf32>
    %add3A = arith.addf %get3A_19, %sub3A : vector<1024x64xf32>
    %dot_general3A = arith.constant dense<0.000000e+00> : vector<1024x1024xf32>
    %dot_general3A_23 = tpu.matmul %add3A, %get3A_1, %dot_general3A {dimension_numbers = #tpu.dot_dimension_numbers<[1], [0], [0], [1], [0, 0, 1, 1], [], []>, transpose_lhs_hint = false} : vector<1024x64xf32>, vector<64x1024xf32>, vector<1024x1024xf32> -> vector<1024x1024xf32>
    %broadcast_in_dim3A = vector.shape_cast %get3A_3 : vector<1024xf32> to vector<1x1024xf32>
    %add3A_24 = vector.broadcast %broadcast_in_dim3A : vector<1x1024xf32> to vector<1024x1024xf32>
    %add3A_25 = arith.addf %dot_general3A_23, %add3A_24 : vector<1024x1024xf32>
    %max3A = arith.constant 0.000000e+00 : f32
    %max3A_26 = vector.broadcast %max3A : f32 to vector<1024x1024xf32>
    %max3A_27 = arith.maximumf %add3A_25, %max3A_26 : vector<1024x1024xf32>
    %dot_general3A_28 = arith.constant dense<0.000000e+00> : vector<1024x1024xf32>
    %dot_general3A_29 = tpu.matmul %max3A_27, %get3A_6, %dot_general3A_28 {dimension_numbers = #tpu.dot_dimension_numbers<[1], [0], [0], [1], [0, 0, 1, 1], [], []>, transpose_lhs_hint = false} : vector<1024x1024xf32>, vector<1024x1024xf32>, vector<1024x1024xf32> -> vector<1024x1024xf32>
    %broadcast_in_dim3A_30 = vector.shape_cast %get3A_8 : vector<1024xf32> to vector<1x1024xf32>
    %add3A_31 = vector.broadcast %broadcast_in_dim3A_30 : vector<1x1024xf32> to vector<1024x1024xf32>
    %add3A_32 = arith.addf %dot_general3A_29, %add3A_31 : vector<1024x1024xf32>
    %max3A_33 = arith.constant 0.000000e+00 : f32
    %max3A_34 = vector.broadcast %max3A_33 : f32 to vector<1024x1024xf32>
    %max3A_35 = arith.maximumf %add3A_32, %max3A_34 : vector<1024x1024xf32>
    %dot_general3A_36 = arith.constant dense<0.000000e+00> : vector<1024x512xf32>
    %dot_general3A_37 = tpu.matmul %max3A_35, %get3A_11, %dot_general3A_36 {dimension_numbers = #tpu.dot_dimension_numbers<[1], [0], [0], [1], [0, 0, 1, 1], [], []>, transpose_lhs_hint = false} : vector<1024x1024xf32>, vector<1024x512xf32>, vector<1024x512xf32> -> vector<1024x512xf32>
    %broadcast_in_dim3A_38 = vector.shape_cast %get3A_13 : vector<512xf32> to vector<1x512xf32>
    %add3A_39 = vector.broadcast %broadcast_in_dim3A_38 : vector<1x512xf32> to vector<1024x512xf32>
    %add3A_40 = arith.addf %dot_general3A_37, %add3A_39 : vector<1024x512xf32>
    %sub3A_41 = arith.subf %get3A_22, %get3A_19 : vector<1024x64xf32>
    %integer_pow3A = arith.mulf %sub3A_41, %sub3A_41 : vector<1024x64xf32>
    %reduce_sum3A = vector.shape_cast %integer_pow3A : vector<1024x64xf32> to vector<1x1024x64xf32>
    %reduce_sum3A_42 = arith.constant dense<0.000000e+00> : vector<1xf32>
    %reduce_sum3A_43 = vector.multi_reduction <add>, %reduce_sum3A, %reduce_sum3A_42 [1, 2] : vector<1x1024x64xf32> to vector<1xf32>
    %reduce_sum3A_44 = vector.shape_cast %reduce_sum3A_43 : vector<1xf32> to vector<1x1x1xf32>
    %reduce_sum3A_45 = vector.extract %reduce_sum3A_44[0, 0, 0] : f32 from vector<1x1x1xf32>
    %sub3A_46 = arith.subf %add3A_40, %get3A_16 : vector<1024x512xf32>
    %integer_pow3A_47 = arith.mulf %sub3A_46, %sub3A_46 : vector<1024x512xf32>
    %reduce_sum3A_48 = vector.shape_cast %integer_pow3A_47 : vector<1024x512xf32> to vector<1x1024x512xf32>
    %reduce_sum3A_49 = arith.constant dense<0.000000e+00> : vector<1xf32>
    %reduce_sum3A_50 = vector.multi_reduction <add>, %reduce_sum3A_48, %reduce_sum3A_49 [1, 2] : vector<1x1024x512xf32> to vector<1xf32>
    %reduce_sum3A_51 = vector.shape_cast %reduce_sum3A_50 : vector<1xf32> to vector<1x1x1xf32>
    %reduce_sum3A_52 = vector.extract %reduce_sum3A_51[0, 0, 0] : f32 from vector<1x1x1xf32>
    %swap3A = arith.constant 0 : index
    %swap3A_53 = arith.constant 0 : index
    %swap3A_54 = vector.load %arg10[%swap3A, %swap3A_53] : memref<2048x512xf32, #tpu.memory_space<vmem>>, vector<1024x512xf32>
    tpu.vector_store %arg10[%swap3A, %swap3A_53], %add3A_40 {strides = array<i32>} : memref<2048x512xf32, #tpu.memory_space<vmem>>, vector<1024x512xf32>,
    %swap3A_55 = arith.constant 0 : index
    %swap3A_56 = arith.constant 0 : index
    %swap3A_57 = vector.load %arg11[%swap3A_55, %swap3A_56] : memref<2048x64xf32, #tpu.memory_space<vmem>>, vector<1024x64xf32>
    tpu.vector_store %arg11[%swap3A_55, %swap3A_56], %add3A {strides = array<i32>} : memref<2048x64xf32, #tpu.memory_space<vmem>>, vector<1024x64xf32>,
    %add3A_58 = arith.constant 0.000000e+00 : f32
    %add3A_59 = arith.addf %add3A_58, %reduce_sum3A_45 : f32
    %add3A_60 = arith.constant 0.000000e+00 : f32
    %add3A_61 = arith.addf %add3A_60, %reduce_sum3A_52 : f32
    %get3A_62 = arith.constant 1024 : index
    %get3A_63 = arith.constant 0 : index
    %get3A_64 = vector.load %arg1[%get3A_62, %get3A_63] : memref<2048x512xf32, #tpu.memory_space<vmem>>, vector<1024x512xf32>
    %get3A_65 = arith.constant 1024 : index
    %get3A_66 = arith.constant 0 : index
    %get3A_67 = vector.load %arg2[%get3A_65, %get3A_66] : memref<2048x64xf32, #tpu.memory_space<vmem>>, vector<1024x64xf32>
    %get3A_68 = arith.constant 1024 : index
    %get3A_69 = arith.constant 0 : index
    %get3A_70 = vector.load %arg3[%get3A_68, %get3A_69] : memref<2048x128xf32, #tpu.memory_space<vmem>>, vector<1024x64xf32>
    %sub3A_71 = arith.subf %get3A_70, %get3A_67 : vector<1024x64xf32>
    %add3A_72 = arith.addf %get3A_67, %sub3A_71 : vector<1024x64xf32>
    %dot_general3A_73 = arith.constant dense<0.000000e+00> : vector<1024x1024xf32>
    %dot_general3A_74 = tpu.matmul %add3A_72, %get3A_1, %dot_general3A_73 {dimension_numbers = #tpu.dot_dimension_numbers<[1], [0], [0], [1], [0, 0, 1, 1], [], []>, transpose_lhs_hint = false} : vector<1024x64xf32>, vector<64x1024xf32>, vector<1024x1024xf32> -> vector<1024x1024xf32>
    %broadcast_in_dim3A_75 = vector.shape_cast %get3A_3 : vector<1024xf32> to vector<1x1024xf32>
    %add3A_76 = vector.broadcast %broadcast_in_dim3A_75 : vector<1x1024xf32> to vector<1024x1024xf32>
    %add3A_77 = arith.addf %dot_general3A_74, %add3A_76 : vector<1024x1024xf32>
    %max3A_78 = arith.constant 0.000000e+00 : f32
    %max3A_79 = vector.broadcast %max3A_78 : f32 to vector<1024x1024xf32>
    %max3A_80 = arith.maximumf %add3A_77, %max3A_79 : vector<1024x1024xf32>
    %dot_general3A_81 = arith.constant dense<0.000000e+00> : vector<1024x1024xf32>
    %dot_general3A_82 = tpu.matmul %max3A_80, %get3A_6, %dot_general3A_81 {dimension_numbers = #tpu.dot_dimension_numbers<[1], [0], [0], [1], [0, 0, 1, 1], [], []>, transpose_lhs_hint = false} : vector<1024x1024xf32>, vector<1024x1024xf32>, vector<1024x1024xf32> -> vector<1024x1024xf32>
    %broadcast_in_dim3A_83 = vector.shape_cast %get3A_8 : vector<1024xf32> to vector<1x1024xf32>
    %add3A_84 = vector.broadcast %broadcast_in_dim3A_83 : vector<1x1024xf32> to vector<1024x1024xf32>
    %add3A_85 = arith.addf %dot_general3A_82, %add3A_84 : vector<1024x1024xf32>
    %max3A_86 = arith.constant 0.000000e+00 : f32
    %max3A_87 = vector.broadcast %max3A_86 : f32 to vector<1024x1024xf32>
    %max3A_88 = arith.maximumf %add3A_85, %max3A_87 : vector<1024x1024xf32>
    %dot_general3A_89 = arith.constant dense<0.000000e+00> : vector<1024x512xf32>
    %dot_general3A_90 = tpu.matmul %max3A_88, %get3A_11, %dot_general3A_89 {dimension_numbers = #tpu.dot_dimension_numbers<[1], [0], [0], [1], [0, 0, 1, 1], [], []>, transpose_lhs_hint = false} : vector<1024x1024xf32>, vector<1024x512xf32>, vector<1024x512xf32> -> vector<1024x512xf32>
    %broadcast_in_dim3A_91 = vector.shape_cast %get3A_13 : vector<512xf32> to vector<1x512xf32>
    %add3A_92 = vector.broadcast %broadcast_in_dim3A_91 : vector<1x512xf32> to vector<1024x512xf32>
    %add3A_93 = arith.addf %dot_general3A_90, %add3A_92 : vector<1024x512xf32>
    %sub3A_94 = arith.subf %get3A_70, %get3A_67 : vector<1024x64xf32>
    %integer_pow3A_95 = arith.mulf %sub3A_94, %sub3A_94 : vector<1024x64xf32>
    %reduce_sum3A_96 = vector.shape_cast %integer_pow3A_95 : vector<1024x64xf32> to vector<1x1024x64xf32>
    %reduce_sum3A_97 = arith.constant dense<0.000000e+00> : vector<1xf32>
    %reduce_sum3A_98 = vector.multi_reduction <add>, %reduce_sum3A_96, %reduce_sum3A_97 [1, 2] : vector<1x1024x64xf32> to vector<1xf32>
    %reduce_sum3A_99 = vector.shape_cast %reduce_sum3A_98 : vector<1xf32> to vector<1x1x1xf32>
    %reduce_sum3A_100 = vector.extract %reduce_sum3A_99[0, 0, 0] : f32 from vector<1x1x1xf32>
    %sub3A_101 = arith.subf %add3A_93, %get3A_64 : vector<1024x512xf32>
    %integer_pow3A_102 = arith.mulf %sub3A_101, %sub3A_101 : vector<1024x512xf32>
    %reduce_sum3A_103 = vector.shape_cast %integer_pow3A_102 : vector<1024x512xf32> to vector<1x1024x512xf32>
    %reduce_sum3A_104 = arith.constant dense<0.000000e+00> : vector<1xf32>
    %reduce_sum3A_105 = vector.multi_reduction <add>, %reduce_sum3A_103, %reduce_sum3A_104 [1, 2] : vector<1x1024x512xf32> to vector<1xf32>
    %reduce_sum3A_106 = vector.shape_cast %reduce_sum3A_105 : vector<1xf32> to vector<1x1x1xf32>
    %reduce_sum3A_107 = vector.extract %reduce_sum3A_106[0, 0, 0] : f32 from vector<1x1x1xf32>
    %swap3A_108 = arith.constant 1024 : index
    %swap3A_109 = arith.constant 0 : index
    %swap3A_110 = vector.load %arg10[%swap3A_108, %swap3A_109] : memref<2048x512xf32, #tpu.memory_space<vmem>>, vector<1024x512xf32>
    tpu.vector_store %arg10[%swap3A_108, %swap3A_109], %add3A_93 {strides = array<i32>} : memref<2048x512xf32, #tpu.memory_space<vmem>>, vector<1024x512xf32>,
    %swap3A_111 = arith.constant 1024 : index
    %swap3A_112 = arith.constant 0 : index
    %swap3A_113 = vector.load %arg11[%swap3A_111, %swap3A_112] : memref<2048x64xf32, #tpu.memory_space<vmem>>, vector<1024x64xf32>
    tpu.vector_store %arg11[%swap3A_111, %swap3A_112], %add3A_72 {strides = array<i32>} : memref<2048x64xf32, #tpu.memory_space<vmem>>, vector<1024x64xf32>,
    %add3A_114 = arith.addf %add3A_59, %reduce_sum3A_100 : f32
    %add3A_115 = arith.addf %add3A_61, %reduce_sum3A_107 : f32
    %eq3A = arith.constant 0 : i32
    %eq3A_116 = arith.cmpi eq, %arg0, %eq3A : i32
    %get3A_117 = arith.constant 0 : index
    %get3A_118 = arith.constant 0 : index
    %get3A_119 = vector.load %arg12[%get3A_117, %get3A_118] : memref<1x1xf32, #tpu.memory_space<vmem>>, vector<1x1xf32>
    %jit3A = arith.constant 0.000000e+00 : f32
    %broadcast_in_dim3A_120 = vector.broadcast %jit3A : f32 to vector<1x1xf32>
    %select_n3A = arith.select %eq3A_116, %broadcast_in_dim3A_120, %get3A_119 : vector<1x1xf32>
    %add3A_121 = vector.broadcast %add3A_114 : f32 to vector<1x1xf32>
    %add3A_122 = arith.addf %select_n3A, %add3A_121 : vector<1x1xf32>
    %swap3A_123 = arith.constant 0 : index
    %swap3A_124 = arith.constant 0 : index
    %swap3A_125 = vector.load %arg12[%swap3A_123, %swap3A_124] : memref<1x1xf32, #tpu.memory_space<vmem>>, vector<1x1xf32>
    tpu.vector_store %arg12[%swap3A_123, %swap3A_124], %add3A_122 {strides = array<i32>} : memref<1x1xf32, #tpu.memory_space<vmem>>, vector<1x1xf32>,
    %get3A_126 = arith.constant 0 : index
    %get3A_127 = arith.constant 0 : index
    %get3A_128 = vector.load %arg13[%get3A_126, %get3A_127] : memref<1x1xf32, #tpu.memory_space<vmem>>, vector<1x1xf32>
    %jit3A_129 = arith.constant 0.000000e+00 : f32
    %broadcast_in_dim3A_130 = vector.broadcast %jit3A_129 : f32 to vector<1x1xf32>
    %select_n3A_131 = arith.select %eq3A_116, %broadcast_in_dim3A_130, %get3A_128 : vector<1x1xf32>
    %add3A_132 = vector.broadcast %add3A_115 : f32 to vector<1x1xf32>
    %add3A_133 = arith.addf %select_n3A_131, %add3A_132 : vector<1x1xf32>
    %swap3A_134 = arith.constant 0 : index
    %swap3A_135 = arith.constant 0 : index
    %swap3A_136 = vector.load %arg13[%swap3A_134, %swap3A_135] : memref<1x1xf32, #tpu.memory_space<vmem>>, vector<1x1xf32>
    tpu.vector_store %arg13[%swap3A_134, %swap3A_135], %add3A_133 {strides = array<i32>} : memref<1x1xf32, #tpu.memory_space<vmem>>, vector<1x1xf32>,
    return
  }
  func.func @transform_0(%arg0: i32) -> (i32, i32) {
    %c0_i32 = arith.constant 0 : i32
    %c0_i32_0 = arith.constant 0 : i32
    return %arg0, %c0_i32 : i32, i32
  }
  func.func @transform_1(%arg0: i32) -> (i32, i32) {
    %c0_i32 = arith.constant 0 : i32
    %c0_i32_0 = arith.constant 0 : i32
    return %arg0, %c0_i32 : i32, i32
  }
  func.func @transform_2(%arg0: i32) -> (i32, i32) {
    %c0_i32 = arith.constant 0 : i32
    %c0_i32_0 = arith.constant 0 : i32
    return %arg0, %c0_i32 : i32, i32
  }
  func.func @transform_3(%arg0: i32) -> (i32, i32) {
    %c0_i32 = arith.constant 0 : i32
    %c0_i32_0 = arith.constant 0 : i32
    %c0_i32_1 = arith.constant 0 : i32
    return %c0_i32, %c0_i32_0 : i32, i32
  }
  func.func @transform_4(%arg0: i32) -> i32 {
    %c0_i32 = arith.constant 0 : i32
    %c0_i32_0 = arith.constant 0 : i32
    return %c0_i32 : i32
  }
  func.func @transform_5(%arg0: i32) -> (i32, i32) {
    %c0_i32 = arith.constant 0 : i32
    %c0_i32_0 = arith.constant 0 : i32
    %c0_i32_1 = arith.constant 0 : i32
    return %c0_i32, %c0_i32_0 : i32, i32
  }
  func.func @transform_6(%arg0: i32) -> i32 {
    %c0_i32 = arith.constant 0 : i32
    %c0_i32_0 = arith.constant 0 : i32
    return %c0_i32 : i32
  }
  func.func @transform_7(%arg0: i32) -> (i32, i32) {
    %c0_i32 = arith.constant 0 : i32
    %c0_i32_0 = arith.constant 0 : i32
    %c0_i32_1 = arith.constant 0 : i32
    return %c0_i32, %c0_i32_0 : i32, i32
  }
  func.func @transform_8(%arg0: i32) -> i32 {
    %c0_i32 = arith.constant 0 : i32
    %c0_i32_0 = arith.constant 0 : i32
    return %c0_i32 : i32
  }
  func.func @transform_9(%arg0: i32) -> (i32, i32) {
    %c0_i32 = arith.constant 0 : i32
    %c0_i32_0 = arith.constant 0 : i32
    return %arg0, %c0_i32 : i32, i32
  }
  func.func @transform_10(%arg0: i32) -> (i32, i32) {
    %c0_i32 = arith.constant 0 : i32
    %c0_i32_0 = arith.constant 0 : i32
    return %arg0, %c0_i32 : i32, i32
  }
  func.func @transform_11(%arg0: i32) -> (i32, i32) {
    %c0_i32 = arith.constant 0 : i32
    %c0_i32_0 = arith.constant 0 : i32
    %c0_i32_1 = arith.constant 0 : i32
    return %c0_i32, %c0_i32_0 : i32, i32
  }
  func.func @transform_12(%arg0: i32) -> (i32, i32) {
    %c0_i32 = arith.constant 0 : i32
    %c0_i32_0 = arith.constant 0 : i32
    %c0_i32_1 = arith.constant 0 : i32
    return %c0_i32, %c0_i32_0 : i32, i32
  }
}

</mosaic_0001>

<sc_bundles>
// kernel: kernel.5.cloned.1.call-start
scs
__scs_entry_jumppad:
0x0: {  	(pc) =	sbr.rel $0x88, $3  }
0x1: {  	(tag) =	ssettag $0x0;
	lr =	simm.s32 $0x1  }
0x2: {  	[smem:$0x3F93] =	sst lr;
	_ =	strace $0xD0000000  }
0x3: {  	_ = 	snop  }
0x4: {  	_ = 	snop  }
0x5: {  	_ = 	snop  }
0x6: {  	_ = 	snop  }
0x7: {  	_ = 	snop  }
__scs_overlays_trampoline_lowered:
0x8: {  	[smem:$0x3FA2] =	sst s0  }
0x9: {  	[smem:$0x3FA3] =	sst s1  }
0xa: {  	[smem:$0x3FA4] =	sst s2  }
0xb: {  	[smem:$0x3FA5] =	sst s3  }
0xc: {  	[smem:$0x3FA6] =	sst s4  }
0xd: {  	[smem:$0x3FA7] =	sst s5  }
0xe: {  	[smem:$0x3FA8] =	sst s6  }
0xf: {  	[smem:$0x3FA9] =	sst s7  }
0x10: {  	[smem:$0x3FAA] =	sst s8  }
0x11: {  	[smem:$0x3FAB] =	sst s9;
	s0 =	simm.s32 @!p0 $0x0  }
0x12: {  	s1 =	sld [smem:$0x3F91];
	s0 =	simm.s32 @p0 $0x1  }
0x13: {  	[smem:$0x3FAC] =	sst s0;
	s0 =	simm.s32 @!p1 $0x0  }
0x14: {  	s2 =	sld [smem:$0x3F90];
	s0 =	simm.s32 @p1 $0x1  }
0x15: {  	[smem:$0x3FAD] =	sst s0;
	s0 =	simm.s32 @!p2 $0x0  }
0x16: {  	s3 =	sld [smem:$0x3FDB];
	s0 =	simm.s32 @p2 $0x1  }
0x17: {  	s4 =	simm.s32 $0x1BF5;
	[smem:$0x3FAF] =	sst s0  }
0x18: {  	s0 =	sld [smem:$0x3F92];
	_ =	swait.ge [sflag:s4], $0x0  }
0x19: {  	s7 =	sld [smem:$0x3F93]  }
0x1a: {  	s8 =	sadd.s32 $0xFFFFE003, lr  }
0x1b: {  	s9 =	sadd.s32 $0xFFFFFEF7, lr;
	s5 =	simm.s32 $0xFFFFFFFF;
	p2 =	slt.u32 s8, $0xFFFFF086  }
0x1c: {  	p1 =	slt.u32 s9, $0xF7A;
	s5 =	simm.s32 @!p2 $0x0  }
0x1d: {  	s5 =	simm.s32 @p1 $0x1;
	p0 =	seq.s32 s7, s2  }
0x1e: {  	s7 =	smul.u32 @!p0 $0xF7A, s2;
	p2 =	seq.s32 @!p0 s5, $0x0  }
0x1f: {  	s9 =	smul.u32 $0xF7A, s1;
	s8 =	simm.s32 @!p0 $0x1BF5;
	p2 =	por !p2, p0  }
0x20: {  	[sflag:s8] =	ssyncset.s32 @!p0 $0xFFFFF086;
	s6 =	sadd.s32 @!p0 s3, s7;
	s7 =	simm.s32 @!p0 $0x108  }
0x21: {  	s3 =	sadd.s32 s3, s9;
	s6 =	sadd.s32 @!p0 $0x88, s6;
	s7 =	simm.s32 @p2 $0x1082  }
0x22: {  	[simem:s7], [sflag:s8] =	dma.local @!p0 [hbm:s6], $0xF7A  }
0x23: {  	s9 =	sor.u32 $0xD0000000, s2;
	s6 =	simm.s32 $0x108;
	_ =	swait.ge @!p0 [sflag:s8], $0x0  }
0x24: {  	s3 =	sadd.s32 $0x88, s3;
	s6 =	simm.s32 @!p1 $0x1082;
	[sflag:s4] =	ssyncset.s32 $0xFFFFF086  }
0x25: {  	[simem:s6], [sflag:s4] =	dma.local [hbm:s3], $0xF7A  }
0x26: {  	[smem:$0x3F93] =	sst s1;
	(tag) =	ssettag s2;
	_ =	strace s9  }
0x27: {  	s1 =	sld [smem:$0x3FA3]  }
0x28: {  	s2 =	sld [smem:$0x3FA4]  }
0x29: {  	s4 =	sld [smem:$0x3FA6]  }
0x2a: {  	p0 =	seq.s32 s5, $0x0;
	s5 =	sld [smem:$0x3FA7]  }
0x2b: {  	s6 =	sld [smem:$0x3FA8]  }
0x2c: {  	s7 =	sld [smem:$0x3FA9]  }
0x2d: {  	s3 =	simm.s32 $0x108;
	s8 =	sld [smem:$0x3FAA]  }
0x2e: {  	s3 =	simm.s32 @!p0 $0x1082;
	s9 =	sld [smem:$0x3FAB]  }
0x2f: {  	lr =	sadd.s32 s0, s3;
	s0 =	sld [smem:$0x3FA2]  }
0x30: {  	s3 =	sld [smem:$0x3FA5]  }
0x31: {  	[smem:$0x3FAE] =	sst s10  }
0x32: {  	s10 =	sld [smem:$0x3FAC];
	_ =	sdelay $0x3  }
0x33: {  	p0 =	seq.s32 s10, $0x1;
	s10 =	sld [smem:$0x3FAE];
	_ =	sdelay $0x3  }
0x34: {  	[smem:$0x3FAE] =	sst s10  }
0x35: {  	s10 =	sld [smem:$0x3FAD];
	_ =	sdelay $0x3  }
0x36: {  	p1 =	seq.s32 s10, $0x1;
	s10 =	sld [smem:$0x3FAE];
	_ =	sdelay $0x3  }
0x37: {  	[smem:$0x3FAE] =	sst s10  }
0x38: {  	s10 =	sld [smem:$0x3FAF]  }
0x39: {  	_ = 	snop;
	(pc) =	sbr.ind lr, $3  }
0x3a: {  	_ = 	snop  }
0x3b: {  	_ = 	snop  }
0x3c: {  	p2 =	seq.s32 s10, $0x1;
	s10 =	sld [smem:$0x3FAE]  }
0x3d: {  	_ =	shalt  }
0x3e: {  	_ =	shalt  }
0x3f: {  	_ =	shalt  }
0x40: {  	_ =	shalt  }
0x41: {  	_ =	shalt  }
0x42: {  	_ =	shalt  }
0x43: {  	_ =	shalt  }
0x44: {  	_ =	shalt  }
0x45: {  	_ =	shalt  }
0x46: {  	_ =	shalt  }
0x47: {  	_ =	shalt  }
0x48: {  	_ =	shalt  }
0x49: {  	_ =	shalt  }
0x4a: {  	_ =	shalt  }
0x4b: {  	_ =	shalt  }
0x4c: {  	_ =	shalt  }
0x4d: {  	_ =	shalt  }
0x4e: {  	_ =	shalt  }
0x4f: {  	_ =	shalt  }
0x50: {  	_ =	shalt  }
0x51: {  	_ =	shalt  }
0x52: {  	_ =	shalt  }
0x53: {  	_ =	shalt  }
0x54: {  	_ =	shalt  }
0x55: {  	_ =	shalt  }
0x56: {  	_ =	shalt  }
0x57: {  	_ =	shalt  }
0x58: {  	_ =	shalt  }
0x59: {  	_ =	shalt  }
0x5a: {  	_ =	shalt  }
0x5b: {  	_ =	shalt  }
0x5c: {  	_ =	shalt  }
0x5d: {  	_ =	shalt  }
0x5e: {  	_ =	shalt  }
0x5f: {  	_ =	shalt  }
0x60: {  	_ =	shalt  }
0x61: {  	_ =	shalt  }
0x62: {  	_ =	shalt  }
0x63: {  	_ =	shalt  }
0x64: {  	_ =	shalt  }
0x65: {  	_ =	shalt  }
0x66: {  	_ =	shalt  }
0x67: {  	_ =	shalt  }
0x68: {  	_ =	shalt  }
0x69: {  	_ =	shalt  }
0x6a: {  	_ =	shalt  }
0x6b: {  	_ =	shalt  }
0x6c: {  	_ =	shalt  }
0x6d: {  	_ =	shalt  }
0x6e: {  	_ =	shalt  }
0x6f: {  	_ =	shalt  }
0x70: {  	_ =	shalt  }
0x71: {  	_ =	shalt  }
0x72: {  	_ =	shalt  }
0x73: {  	_ =	shalt  }
0x74: {  	_ =	shalt  }
0x75: {  	_ =	shalt  }
0x76: {  	_ =	shalt  }
0x77: {  	_ =	shalt  }
0x78: {  	_ =	shalt  }
0x79: {  	_ =	shalt  }
0x7a: {  	_ =	shalt  }
0x7b: {  	_ =	shalt  }
0x7c: {  	_ =	shalt  }
0x7d: {  	_ =	shalt  }
0x7e: {  	_ =	shalt  }
0x7f: {  	_ =	shalt  }
0x80: {  	_ =	shalt  }
0x81: {  	_ =	shalt  }
0x82: {  	_ =	shalt  }
0x83: {  	_ =	shalt  }
0x84: {  	_ =	shalt  }
0x85: {  	_ =	shalt  }
0x86: {  	_ =	shalt  }
0x87: {  	_ =	shalt  }
.Lfunc_end0:
.L_simem_size_0:
called_computation_lowered:
.L_overlay_start_0:
0x88: {  	s2 =	sld [smem:$0x3FD9]  }
0x89: {  	s3 =	sld [smem:$0x3FFE];
	_ =	sdelay $0x1  }
0x8a: {  	s1 =	srdreg.scid  }
0x8b: {  	s0 =	sand.u32 $0x1, s1  }
0x8c: {  	s14 =	sshll.u32 s0, $0xA;
	s2 =	sadd.s32 s3, s2  }
0x8d: {  	s2 =	sadd.s32 s2, s14  }
0x8e: {  	[smem:$0x3FBA] =	sst s2  }
0x8f: {  	_ = 	snop  }
0x90: {  	s2 =	sld [smem:$0x3FD0];
	_ =	sdelay $0x2  }
0x91: {  	s15 =	simm.s32 $0xA;
	s4 =	simm.s32 $0x10  }
0x92: {  	[smem:s4], [sflag:s15] =	dma.local [hbm:s2], $0x1  }
0x93: {  	_ =	swait.eq [sflag:s15], $0x1  }
0x94: {  	[sflag:s15] =	ssyncset.done $0x0  }
0x95: {  	[sflag:s15] =	ssyncadd.s32 $0xFFFFFFFF  }
0x96: {  	s16 =	sld [smem:$0x13];
	(tm) =	ssettm $0x1  }
0x97: {  	s17 =	sld [smem:$0x3FFB];
	_ =	sdelay $0x3  }
0x98: {  	_ =	strace s17  }
0x99: {  	s3 =	sld [smem:$0x3FFC];
	_ =	sdelay $0x3  }
0x9a: {  	_ =	strace s3  }
0x9b: {  	s3 =	sld [smem:$0x3FFD];
	_ =	sdelay $0x3  }
0x9c: {  	_ =	strace s3  }
0x9d: {  	_ =	strace $0x8FFFFFFF  }
0x9e: {  	s18 =	sld [smem:$0x3FDB];
	_ =	sdelay $0x1  }
0x9f: {  	s19 =	simm.s32 $_scs_section_size  }
0xa0: {  	s5 =	simm.s32 $_size__tile_overlayer_lowered;
	s6 =	simm.s32 $_tile_overlayer_lowered  }
0xa1: {  	s22 =	simm.s32 $0x1BFF;
	s21 =	sshll.u32 s6, $0x1;
	s3 =	sadd.s32 s19, s18  }
0xa2: {  	s7 =	simm.s32 $0x0;
	s20 =	sshll.u32 s5, $0x1;
	s5 =	sadd.s32 s21, s3  }
0xa3: {  	[timem:s7], [sflag:s22] =	dma.local [hbm:s5], s20  }
0xa4: {  	_ =	swait.ge [sflag:s22], s20  }
0xa5: {  	s4 =	ssub.s32 $0x0, s20;
	[sflag:s22] =	ssyncset.done $0x0  }
0xa6: {  	[sflag:s22] =	ssyncadd.s32 s4;
	_ =	sdelay $0x1  }
0xa7: {  	s23 =	simm.s32 $0x1B8B  }
0xa8: {  	_ =	swait.ge [sflag:s23], $0x1  }
0xa9: {  	[sflag:s23] =	ssyncset.done $0x0  }
0xaa: {  	s25 =	simm.s32 $0x1B8E;
	s24 =	sld [smem:$0x3FFE];
	[sflag:s23] =	ssyncadd.s32 $0xFFFFFFFF  }
0xab: {  	s26 =	simm.s32 $execute0_lowered;
	[smem:$0x3FD2] =	sst s25  }
0xac: {  	s5 =	sshll.u32 s26, $0x1;
	_ =	strace $0x80000046;
	[dreg:$0x1] =	wrdreg $0xFFFFFFFF  }
0xad: {  	s28 =	simm.s32 $_size_execute0_lowered;
	s3 =	sadd.s32 s3, s5;
	[dreg:$0x0] =	wrdreg $0x0  }
0xae: {  	s5 =	sshll.u32 s28, $0x1;
	[dreg:$0x2] =	wrdreg s3  }
0xaf: {  	[dreg:$0x3] =	wrdreg s5  }
0xb0: {  	[dreg:$0x4] =	wrdreg $0xC0  }
0xb1: {  	_ =	task [dreg:s7], $0x5FFFF  }
0xb2: {  	[dreg:$0x1] =	wrdreg $0xFFFFFFFF  }
0xb3: {  	[dreg:$0x0] =	wrdreg $0x60  }
0xb4: {  	[dreg:$0x2] =	wrdreg s16  }
0xb5: {  	[dreg:$0x3] =	wrdreg s24  }
0xb6: {  	[dreg:$0x4] =	wrdreg $0x9  }
0xb7: {  	_ =	task.clear_ibuf [dreg:s7], $0x5FFFF;
	_ =	strace $0x90000046  }
0xb8: {  	s29 =	simm.s32 $0x9;
	_ =	strace $0x80000048  }
0xb9: {  	_ =	swait.ge [sflag:s29], $0x1  }
0xba: {  	[sflag:s29] =	ssyncadd.s32 $0xFFFFFFFF  }
0xbb: {  	_ =	strace $0x90000048  }
0xbc: {  	_ =	sfence  }
0xbd: {  	s30 =	sld [smem:$0x0];
	_ =	sdelay $0x2  }
0xbe: {  	s31 =	sshll.u32 s1, $0xD;
	s1 =	sshrl.u32 s1, $0x2  }
0xbf: {  	s3 =	sand.u32 $0x4000, s31;
	s1 =	sadd.s32 s1, s30  }
0xc0: {  	s0 =	sor.u32 s3, s0;
	s1 =	sshll.u32 s1, $0x11  }
0xc1: {  	s0 =	sor.u32 s1, s0  }
0xc2: {  	s0 =	sadd.s32 $0x8F2B, s0  }
0xc3: {  	[sflag:s0] =	ssyncadd.remote.s32 $0x1  }
0xc4: {  	_ =	sfence.sel $0xFFFF  }
0xc5: {  	[dreg:$0x0] =	wrdreg $0xFFFFFFFF;
	(pc) =	sbr.abs _section_cstart, $3  }
0xc6: {  	[dreg:$0x1] =	wrdreg $0xFFFFFFFF  }
0xc7: {  	_ =	task.clear_ibuf [dreg:s7], $0x2FFFF;
	_ =	strace $0x9FFFFFFF  }
0xc8: {  	(tm) =	ssettm $0x7FFFFFFF  }
0xc9: {  	_ =	shalt  }
tec
execute0_lowered:
.L_overlay_start_1:
0x0: {  	(tag) =	ssettag $0x1  }
0x1: {  	s1 =	srdreg.scid  }
0x2: {  	s2 =	rddreg [dreg:$0x0];
	s0 =	stileid.u32;
	s14 =	sand.u32 $0x1, s1  }
0x3: {  	s8 =	rddreg [dreg:$0x1];
	s4 =	sshll.u32 s0, $0xA;
	s5 =	sshll.u32 s14, $0x9  }
0x4: {  	s3 =	simm.s32 $0x0;
	s1 =	rddreg [dreg:$0x2];
	s13 =	sor.u32 s5, s4  }
0x5: {  	[smem:$0x7FF] =	sst s3;
	s15 =	sadd.s32 $0x41C00, s8;
	s4 =	sshrl.u32 s13, $0x3  }
0x6: {  	_ =	strace $0x80000047;
	s5 =	sadd.s32 s15, s4;
	s4 =	simm.s32 $0x2  }
0x7: {  	[tilespmem:s3], [sflag:$0x2] =	stream.linear.gather [hbm4b:s5+s3], $0x80, $0x38;
	[tilespmem:$0x4080] =	vst v63  }
0x8: {  	_ =	swait.ge [sflag:s4], $0x80  }
0x9: {  	[sflag:s4] =	ssyncset.done $0x0  }
0xa: {  	s6 =	simm.s32 $0x80;
	s7 =	simm.s32 $0x1;
	[sflag:s4] =	ssyncadd.s32 $0xFFFFFF80  }
0xb: {  	[tilespmem:s6], [sflag:$0x1] =	stream.indirect.gather [hbm4b:s2+s6], $0x80, s3, s6, $0xb8;
	[tilespmem:$0x4080] =	vst v63  }
0xc: {  	_ =	swait.ge [sflag:s7], $0x4000  }
0xd: {  	s16 =	sadd.s32 $0x42400, s8;
	s29 =	sshll.u32 s13, $0x4;
	[sflag:s7] =	ssyncset.done $0x0  }
0xe: {  	s8 =	sadd.s32 s16, s29;
	[sflag:s7] =	ssyncadd.s32 $0xFFFFC000  }
0xf: {  	[hbm4b:s8+s3] =	stream.linear.scatter [tilespmem:s6], [sflag:$0x2], $0x4000, $0x38;
	[tilespmem:$0x4080] =	vst v63  }
0x10: {  	s10 =	sor.u32 $0x80, s13;
	_ =	swait.ge [sflag:s4], $0x4000  }
0x11: {  	s9 =	sshrl.u32 s10, $0x3;
	[sflag:s4] =	ssyncset.done $0x0  }
0x12: {  	s9 =	sadd.s32 s15, s9;
	[sflag:s4] =	ssyncadd.s32 $0xFFFFC000  }
0x13: {  	[tilespmem:s3], [sflag:$0x2] =	stream.linear.gather [hbm4b:s9+s3], $0x80, $0x38;
	[tilespmem:$0x4080] =	vst v63  }
0x14: {  	_ =	swait.ge [sflag:s4], $0x80  }
0x15: {  	[sflag:s4] =	ssyncset.done $0x0  }
0x16: {  	[sflag:s4] =	ssyncadd.s32 $0xFFFFFF80  }
0x17: {  	[tilespmem:s6], [sflag:$0x1] =	stream.indirect.gather [hbm4b:s2+s6], $0x80, s3, s6, $0xb8;
	[tilespmem:$0x4080] =	vst v63  }
0x18: {  	_ =	swait.ge [sflag:s7], $0x4000  }
0x19: {  	s10 =	sshll.u32 s10, $0x4;
	[sflag:s7] =	ssyncset.done $0x0  }
0x1a: {  	s10 =	sadd.s32 s16, s10;
	[sflag:s7] =	ssyncadd.s32 $0xFFFFC000  }
0x1b: {  	[hbm4b:s10+s3] =	stream.linear.scatter [tilespmem:s6], [sflag:$0x2], $0x4000, $0x38;
	[tilespmem:$0x4080] =	vst v63  }
0x1c: {  	s12 =	sor.u32 $0x100, s13;
	_ =	swait.ge [sflag:s4], $0x4000  }
0x1d: {  	s11 =	sshrl.u32 s12, $0x3;
	[sflag:s4] =	ssyncset.done $0x0  }
0x1e: {  	s11 =	sadd.s32 s15, s11;
	[sflag:s4] =	ssyncadd.s32 $0xFFFFC000  }
0x1f: {  	[tilespmem:s3], [sflag:$0x2] =	stream.linear.gather [hbm4b:s11+s3], $0x80, $0x38;
	[tilespmem:$0x4080] =	vst v63  }
0x20: {  	_ =	swait.ge [sflag:s4], $0x80  }
0x21: {  	[sflag:s4] =	ssyncset.done $0x0  }
0x22: {  	[sflag:s4] =	ssyncadd.s32 $0xFFFFFF80  }
0x23: {  	[tilespmem:s6], [sflag:$0x1] =	stream.indirect.gather [hbm4b:s2+s6], $0x80, s3, s6, $0xb8;
	[tilespmem:$0x4080] =	vst v63  }
0x24: {  	_ =	swait.ge [sflag:s7], $0x4000  }
0x25: {  	s12 =	sshll.u32 s12, $0x4;
	[sflag:s7] =	ssyncset.done $0x0  }
0x26: {  	s12 =	sadd.s32 s16, s12;
	[sflag:s7] =	ssyncadd.s32 $0xFFFFC000  }
0x27: {  	[hbm4b:s12+s3] =	stream.linear.scatter [tilespmem:s6], [sflag:$0x2], $0x4000, $0x38;
	[tilespmem:$0x4080] =	vst v63  }
0x28: {  	s17 =	sor.u32 $0x180, s13;
	_ =	swait.ge [sflag:s4], $0x4000  }
0x29: {  	s13 =	sshrl.u32 s17, $0x3;
	[sflag:s4] =	ssyncset.done $0x0  }
0x2a: {  	s14 =	ssub.s32 $0x2, s14;
	s13 =	sadd.s32 s15, s13;
	[sflag:s4] =	ssyncadd.s32 $0xFFFFC000  }
0x2b: {  	[tilespmem:s3], [sflag:$0x2] =	stream.linear.gather [hbm4b:s13+s3], $0x80, $0x38;
	[tilespmem:$0x4080] =	vst v63  }
0x2c: {  	s30 =	sshrl.u32 s14, $0x1;
	_ =	swait.ge [sflag:s4], $0x80  }
0x2d: {  	s15 =	ssub.s32 s14, s30;
	[sflag:s4] =	ssyncset.done $0x0  }
0x2e: {  	s15 =	smax.u32 s15, $0x1;
	[sflag:s4] =	ssyncadd.s32 $0xFFFFFF80  }
0x2f: {  	[tilespmem:s6], [sflag:$0x1] =	stream.indirect.gather [hbm4b:s2+s6], $0x80, s3, s6, $0xb8;
	[tilespmem:$0x4080] =	vst v63  }
0x30: {  	p0 =	sne.s32 s15, $0x1;
	_ =	swait.ge [sflag:s7], $0x4000  }
.Ltmp0:
0x31: {  	s31 =	sshll.u32 s17, $0x4;
	[sflag:s7] =	ssyncset.done $0x0;
	(pc) =	sbr.rel @!p0 .LBB2_2-.Ltmp0, $4  }
0x32: {  	s14 =	sadd.s32 s16, s31;
	[sflag:s7] =	ssyncadd.s32 $0xFFFFC000  }
0x33: {  	[hbm4b:s14+s3] =	stream.linear.scatter [tilespmem:s6], [sflag:$0x2], $0x4000, $0x38;
	[tilespmem:$0x4080] =	vst v63  }
0x34: {  	_ =	swait.ge [sflag:s4], $0x4000  }
0x35: {  	s15 =	sadd.s32 $0xFFFFFFFF, s15;
	[sflag:s4] =	ssyncset.done $0x0  }
.LBB2_1:
0x36: {  	p0 =	sne.s32 s15, $0x1;
	s15 =	sadd.s32 $0xFFFFFFFF, s15;
	[sflag:s4] =	ssyncadd.s32 $0xFFFFC000  }
0x37: {  	[tilespmem:s3], [sflag:$0x2] =	stream.linear.gather [hbm4b:s5+s3], $0x80, $0x38;
	[tilespmem:$0x4080] =	vst v63  }
0x38: {  	_ =	swait.ge [sflag:s4], $0x80  }
0x39: {  	[sflag:s4] =	ssyncset.done $0x0  }
0x3a: {  	[sflag:s4] =	ssyncadd.s32 $0xFFFFFF80  }
0x3b: {  	[tilespmem:s6], [sflag:$0x1] =	stream.indirect.gather [hbm4b:s2+s6], $0x80, s3, s6, $0xb8;
	[tilespmem:$0x4080] =	vst v63  }
0x3c: {  	_ =	swait.ge [sflag:s7], $0x4000  }
0x3d: {  	[sflag:s7] =	ssyncset.done $0x0  }
0x3e: {  	[sflag:s7] =	ssyncadd.s32 $0xFFFFC000  }
0x3f: {  	[hbm4b:s8+s3] =	stream.linear.scatter [tilespmem:s6], [sflag:$0x2], $0x4000, $0x38;
	[tilespmem:$0x4080] =	vst v63  }
0x40: {  	_ =	swait.ge [sflag:s4], $0x4000  }
0x41: {  	[sflag:s4] =	ssyncset.done $0x0  }
0x42: {  	[sflag:s4] =	ssyncadd.s32 $0xFFFFC000  }
0x43: {  	[tilespmem:s3], [sflag:$0x2] =	stream.linear.gather [hbm4b:s9+s3], $0x80, $0x38;
	[tilespmem:$0x4080] =	vst v63  }
0x44: {  	_ =	swait.ge [sflag:s4], $0x80  }
0x45: {  	[sflag:s4] =	ssyncset.done $0x0  }
0x46: {  	[sflag:s4] =	ssyncadd.s32 $0xFFFFFF80  }
0x47: {  	[tilespmem:s6], [sflag:$0x1] =	stream.indirect.gather [hbm4b:s2+s6], $0x80, s3, s6, $0xb8;
	[tilespmem:$0x4080] =	vst v63  }
0x48: {  	_ =	swait.ge [sflag:s7], $0x4000  }
0x49: {  	[sflag:s7] =	ssyncset.done $0x0  }
0x4a: {  	[sflag:s7] =	ssyncadd.s32 $0xFFFFC000  }
0x4b: {  	[hbm4b:s10+s3] =	stream.linear.scatter [tilespmem:s6], [sflag:$0x2], $0x4000, $0x38;
	[tilespmem:$0x4080] =	vst v63  }
0x4c: {  	_ =	swait.ge [sflag:s4], $0x4000  }
0x4d: {  	[sflag:s4] =	ssyncset.done $0x0  }
0x4e: {  	[sflag:s4] =	ssyncadd.s32 $0xFFFFC000  }
0x4f: {  	[tilespmem:s3], [sflag:$0x2] =	stream.linear.gather [hbm4b:s11+s3], $0x80, $0x38;
	[tilespmem:$0x4080] =	vst v63  }
0x50: {  	_ =	swait.ge [sflag:s4], $0x80  }
0x51: {  	[sflag:s4] =	ssyncset.done $0x0  }
0x52: {  	[sflag:s4] =	ssyncadd.s32 $0xFFFFFF80  }
0x53: {  	[tilespmem:s6], [sflag:$0x1] =	stream.indirect.gather [hbm4b:s2+s6], $0x80, s3, s6, $0xb8;
	[tilespmem:$0x4080] =	vst v63  }
0x54: {  	_ =	swait.ge [sflag:s7], $0x4000  }
0x55: {  	[sflag:s7] =	ssyncset.done $0x0  }
0x56: {  	[sflag:s7] =	ssyncadd.s32 $0xFFFFC000  }
0x57: {  	[hbm4b:s12+s3] =	stream.linear.scatter [tilespmem:s6], [sflag:$0x2], $0x4000, $0x38;
	[tilespmem:$0x4080] =	vst v63  }
0x58: {  	_ =	swait.ge [sflag:s4], $0x4000  }
0x59: {  	[sflag:s4] =	ssyncset.done $0x0  }
0x5a: {  	[sflag:s4] =	ssyncadd.s32 $0xFFFFC000  }
0x5b: {  	[tilespmem:s3], [sflag:$0x2] =	stream.linear.gather [hbm4b:s13+s3], $0x80, $0x38;
	[tilespmem:$0x4080] =	vst v63  }
0x5c: {  	_ =	swait.ge [sflag:s4], $0x80  }
0x5d: {  	[sflag:s4] =	ssyncset.done $0x0  }
0x5e: {  	[sflag:s4] =	ssyncadd.s32 $0xFFFFFF80  }
0x5f: {  	[tilespmem:s6], [sflag:$0x1] =	stream.indirect.gather [hbm4b:s2+s6], $0x80, s3, s6, $0xb8;
	[tilespmem:$0x4080] =	vst v63  }
0x60: {  	_ =	swait.ge [sflag:s7], $0x4000  }
.Ltmp1:
0x61: {  	[sflag:s7] =	ssyncset.done $0x0;
	(pc) =	sbr.rel @p0 .LBB2_1-.Ltmp1, $4  }
0x62: {  	[sflag:s7] =	ssyncadd.s32 $0xFFFFC000  }
0x63: {  	[hbm4b:s14+s3] =	stream.linear.scatter [tilespmem:s6], [sflag:$0x2], $0x4000, $0x38;
	[tilespmem:$0x4080] =	vst v63  }
0x64: {  	_ =	swait.ge [sflag:s4], $0x4000  }
0x65: {  	[sflag:s4] =	ssyncset.done $0x0  }
.LBB2_2:
0x66: {  	[sflag:s4] =	ssyncadd.s32 $0xFFFFC000  }
0x67: {  	_ =	sfence.sel $0x180000  }
0x68: {  	[bflag:$0x0] =	sbarrier.arrive $0xFFFF  }
0x69: {  	p0 =	sne.s32 s0, $0x0;
	_ =	strace $0x90000047  }
0x6a: {  	s0 =	sadd.s32 @!p0 $0x100000, s1;
	[bflag:$0x2] =	sbarrier.arrive $0xFFFF  }
0x6b: {  	[sflag:s0] =	ssyncadd.tile.s32 @!p0 $0x1;
	_ =	shalt  }
.Lfunc_end2:
_tile_overlayer_lowered:
.L_overlay_start_2:
0x6c: {  	(tag) =	ssettag $0x2  }
0x6d: {  	s0 =	rddreg [dreg:$0x0];
	s2 =	stileid.u32  }
0x6e: {  	s1 =	rddreg [dreg:$0x1];
	p0 =	sne.s32 s2, $0x0  }
0x6f: {  	s3 =	rddreg [dreg:$0x2];
	[bflag:$0x3] =	sbarrier.arrive $0xFFFF;
	s2 =	simm.s32 @!p0 $0x1C02  }
0x70: {  	[timem:s3], [sflag:s2] =	dma.local @!p0 [hbm:s0], s1  }
0x71: {  	s0 =	simm.s32 @!p0 $0x2  }
0x72: {  	_ =	swait.ge @!p0 [sflag:s0], s1  }
0x73: {  	s1 =	ssub.s32 @!p0 $0x0, s1;
	[sflag:s0] =	ssyncset.done @!p0 $0x0  }
0x74: {  	[sflag:s0] =	ssyncadd.s32 @!p0 s1  }
0x75: {  	[bflag:$0x3] =	sbarrier.arrive $0xFFFF  }
0x76: {  	_ =	shalt  }

</sc_bundles>
